<compile_context>
chip_gen: v7x
topology: tpu7x:2x2x1
jax: 0.10.2.dev20260603
libtpu: 0.0.44.dev20260713+nightly
codegen_flags: <defaults>
</compile_context>

<pallas_src>
import functools

import jax
import jax.numpy as jnp
from jax import lax
from jax.experimental import pallas as pl
from jax.experimental.pallas import tpu as pltpu
from jax.experimental.pallas import tpu_sc as plsc

N_PRED = 1000000
EMB_DIM = 64
HID = 32
B = 16384
F = 26


BLK = 8192


def _mlp_body(xt_ref, w1_ref, b1_ref, w2_ref, b2_ref, o_ref):
    xT = xt_ref[...].astype(jnp.bfloat16)
    hT = lax.dot_general(w1_ref[...].astype(jnp.bfloat16), xT,
                         (((0,), (0,)), ((), ())),
                         preferred_element_type=jnp.float32)
    hT = jnp.maximum(hT + b1_ref[...], 0.0).astype(jnp.bfloat16)
    lT = lax.dot_general(w2_ref[...].astype(jnp.bfloat16), hT,
                         (((0,), (0,)), ((), ())),
                         preferred_element_type=jnp.float32)
    o_ref[...] = jax.nn.sigmoid(lT + b2_ref[...])[0]


def _prob_table(table, W1, b1, W2, b2, interpret=False):
    grid = pl.cdiv(N_PRED, BLK)
    return pl.pallas_call(
        _mlp_body,
        grid=(grid,),
        in_specs=[
            pl.BlockSpec((EMB_DIM, BLK), lambda i: (0, i)),
            pl.BlockSpec((EMB_DIM, HID), lambda i: (0, 0)),
            pl.BlockSpec((HID, 1), lambda i: (0, 0)),
            pl.BlockSpec((HID, 1), lambda i: (0, 0)),
            pl.BlockSpec((1, 1), lambda i: (0, 0)),
        ],
        out_specs=pl.BlockSpec((BLK,), lambda i: (i,)),
        out_shape=jax.ShapeDtypeStruct((N_PRED,), jnp.float32),
        interpret=interpret,
    )(table.T, W1, b1.reshape(HID, 1), W2, b2.reshape(1, 1))



_NC, _NS = 2, 16
_NW = _NC * _NS
_TOT = B * F
_PER_W = _TOT // _NW


def _gather_body(ptab_hbm, idx_hbm, out_hbm, idx_v, val_v, sem):
    wid = lax.axis_index("s") * _NC + lax.axis_index("c")
    base = wid * _PER_W
    pltpu.sync_copy(idx_hbm.at[pl.ds(base, _PER_W)], idx_v)
    pltpu.async_copy(ptab_hbm.at[idx_v], val_v, sem).wait()
    pltpu.sync_copy(val_v, out_hbm.at[pl.ds(base, _PER_W)])


@functools.cache
def _make_gather():
    return pl.kernel(
        _gather_body,
        out_type=jax.ShapeDtypeStruct((_TOT,), jnp.float32),
        mesh=plsc.VectorSubcoreMesh(
            core_axis_name="c", subcore_axis_name="s",
            num_cores=_NC, num_subcores=_NS),
        scratch_types=[
            pltpu.VMEM((_PER_W,), jnp.int32),
            pltpu.VMEM((_PER_W,), jnp.float32),
            pltpu.SemaphoreType.DMA,
        ],
    )


def kernel(predicate_indices, table, W1, b1, W2, b2):
    ptab = _prob_table(table, W1, b1, W2, b2)
    flat_idx = predicate_indices.T.reshape(_TOT).astype(jnp.int32)
    probs = _make_gather()(ptab, flat_idx)
    return probs.reshape(F, B).T

# --- scband reference (transcript-rebuilt; emitter-appended) ---
"""Pipeline reference for scband-probabilistic-logic-20203526160552 (READ-ONLY COPY).

The authoritative reference and input builder live on the scoring server;
editing this copy changes nothing except your own understanding.
"""

import jax, jax.numpy as jnp
import numpy as np

N_PRED = 1000000
EMB_DIM = 64
HID = 32
B = 16384
F = 26

def setup_inputs(seed: int = 0) -> dict:
    key = jax.random.key(seed)
    k_idx, k_tab, k_w1, k_b1, k_w2, k_b2 = jax.random.split(key, 6)
    predicate_indices = jax.random.randint(k_idx, (B, F), 0, N_PRED, dtype=jnp.int64 if jax.config.jax_enable_x64 else jnp.int32)
    table = jax.random.normal(k_tab, (N_PRED, EMB_DIM), dtype=jnp.float32) * 0.02
    W1 = jax.random.normal(k_w1, (EMB_DIM, HID), dtype=jnp.float32) * (1.0 / np.sqrt(EMB_DIM))
    b1 = jnp.zeros((HID,), dtype=jnp.float32)
    W2 = jax.random.normal(k_w2, (HID, 1), dtype=jnp.float32) * (1.0 / np.sqrt(HID))
    b2 = jnp.zeros((1,), dtype=jnp.float32)
    return {"predicate_indices": predicate_indices, "table": table, "W1": W1, "b1": b1, "W2": W2, "b2": b2}

def reference(predicate_indices, table, W1, b1, W2, b2):
    embeddings = jnp.take(table, predicate_indices, axis=0)  # [B, F, EMB_DIM]
    h = jnp.maximum(embeddings @ W1 + b1, 0.0)
    logits = h @ W2 + b2
    probs = jax.nn.sigmoid(logits).squeeze(-1)  # [B, F]
    return probs

if __name__ == "__main__":
    import jax
    _d = setup_inputs()
    print(jax.jit(kernel)(*tuple(_d.values())))

</pallas_src>

<mosaic_0001>
#map = affine_map<(d0, d1) -> (0)>
module attributes {stable_mosaic.version = 14 : i64} {
  func.func @_gather_body(%arg0: i32, %arg1: i32, %arg2: memref<1000000xf32, #tpu.memory_space<hbm>>, %arg3: memref<425984xi32, #tpu.memory_space<hbm>>, %arg4: memref<425984xf32, #tpu.memory_space<hbm>>, %arg5: memref<13312xi32, #tpu.memory_space<vmem>>, %arg6: memref<13312xf32, #tpu.memory_space<vmem>>, %arg7: memref<!tpu.dma_semaphore, #tpu.memory_space<semaphore_mem>>) attributes {dimension_semantics = [#tpu.dimension_semantics<core_parallel>, #tpu.dimension_semantics<subcore_parallel>], iteration_bounds = array<i64: 2, 16>, scalar_prefetch = 0 : i64, scratch_operands = 3 : i64, tpu.core_type = #tpu.core_type<sc_vector_subcore>, window_params = [{transform_indices = #map}, {transform_indices = #map}, {transform_indices = #map}]} {
    %mul3A = arith.constant 2 : i32
    %mul3A_0 = arith.muli %arg1, %mul3A : i32
    %add3A = arith.addi %mul3A_0, %arg0 : i32
    %mul3A_1 = arith.constant 13312 : i32
    %mul3A_2 = arith.muli %add3A, %mul3A_1 : i32
    "tpu.region"() ({
      %run_scoped3A = tpu.sem_alloc : memref<!tpu.dma_semaphore, #tpu.memory_space<semaphore_mem>>
      %dma_start3A_5 = tpu.memref_slice %arg3[%mul3A_2] : memref<425984xi32, #tpu.memory_space<hbm>> -> memref<13312xi32, #tpu.memory_space<hbm>>
      %dma_start3A_6 = tpu.memref_slice %arg3[%mul3A_2] : memref<425984xi32, #tpu.memory_space<hbm>> -> memref<13312xi32, #tpu.memory_space<hbm>>
      tpu.enqueue_dma source(%dma_start3A_6 : memref<13312xi32, #tpu.memory_space<hbm>>) target(%arg5 : memref<13312xi32, #tpu.memory_space<vmem>>) target_semaphore(%run_scoped3A : memref<!tpu.dma_semaphore, #tpu.memory_space<semaphore_mem>>)
      %dma_wait3A_7 = tpu.memref_slice %arg3[%mul3A_2] : memref<425984xi32, #tpu.memory_space<hbm>> -> memref<13312xi32, #tpu.memory_space<hbm>>
      %dma_wait3A_8 = tpu.memref_slice %arg3[%mul3A_2] : memref<425984xi32, #tpu.memory_space<hbm>> -> memref<13312xi32, #tpu.memory_space<hbm>>
      tpu.wait_dma2 semaphore(%run_scoped3A : memref<!tpu.dma_semaphore, #tpu.memory_space<semaphore_mem>>) src(%dma_wait3A_8 : memref<13312xi32, #tpu.memory_space<hbm>>) dst(%arg5 : memref<13312xi32, #tpu.memory_space<vmem>>)
      tpu.yield
    }) : () -> ()
    %dma_start3A = arith.constant 0 : i32
    %dma_start3A_3 = tpu.memref_slice %arg2[%dma_start3A] : memref<1000000xf32, #tpu.memory_space<hbm>> -> memref<1000000xf32, #tpu.memory_space<hbm>>
    tpu.enqueue_indirect_dma source(%dma_start3A_3 : memref<1000000xf32, #tpu.memory_space<hbm>>) target(%arg6 : memref<13312xf32, #tpu.memory_space<vmem>>) offsets(%arg5 : memref<13312xi32, #tpu.memory_space<vmem>>) semaphore(%arg7 : memref<!tpu.dma_semaphore, #tpu.memory_space<semaphore_mem>>)
    %dma_wait3A = arith.constant 0 : i32
    %dma_wait3A_4 = tpu.memref_slice %arg2[%dma_wait3A] : memref<1000000xf32, #tpu.memory_space<hbm>> -> memref<1000000xf32, #tpu.memory_space<hbm>>
    tpu.wait_indirect_dma semaphore(%arg7 : memref<!tpu.dma_semaphore, #tpu.memory_space<semaphore_mem>>) src(%dma_wait3A_4 : memref<1000000xf32, #tpu.memory_space<hbm>>) dst(%arg6 : memref<13312xf32, #tpu.memory_space<vmem>>)
    "tpu.region"() ({
      %run_scoped3A = tpu.sem_alloc : memref<!tpu.dma_semaphore, #tpu.memory_space<semaphore_mem>>
      %dma_start3A_5 = tpu.memref_slice %arg4[%mul3A_2] : memref<425984xf32, #tpu.memory_space<hbm>> -> memref<13312xf32, #tpu.memory_space<hbm>>
      %dma_start3A_6 = tpu.memref_slice %arg4[%mul3A_2] : memref<425984xf32, #tpu.memory_space<hbm>> -> memref<13312xf32, #tpu.memory_space<hbm>>
      tpu.enqueue_dma source(%arg6 : memref<13312xf32, #tpu.memory_space<vmem>>) target(%dma_start3A_6 : memref<13312xf32, #tpu.memory_space<hbm>>) target_semaphore(%run_scoped3A : memref<!tpu.dma_semaphore, #tpu.memory_space<semaphore_mem>>)
      %dma_wait3A_7 = tpu.memref_slice %arg4[%mul3A_2] : memref<425984xf32, #tpu.memory_space<hbm>> -> memref<13312xf32, #tpu.memory_space<hbm>>
      %dma_wait3A_8 = tpu.memref_slice %arg4[%mul3A_2] : memref<425984xf32, #tpu.memory_space<hbm>> -> memref<13312xf32, #tpu.memory_space<hbm>>
      tpu.wait_dma2 semaphore(%run_scoped3A : memref<!tpu.dma_semaphore, #tpu.memory_space<semaphore_mem>>) src(%arg6 : memref<13312xf32, #tpu.memory_space<vmem>>) dst(%dma_wait3A_8 : memref<13312xf32, #tpu.memory_space<hbm>>)
      tpu.yield
    }) : () -> ()
    return
  }
}

module attributes {stable_mosaic.version = 14 : i64} {
  func.func @_mlp_body(%arg0: i32, %arg1: memref<64x8192xf32, #tpu.memory_space<vmem>>, %arg2: memref<64x32xf32, #tpu.memory_space<vmem>>, %arg3: memref<32x1xf32, #tpu.memory_space<vmem>>, %arg4: memref<32x1xf32, #tpu.memory_space<vmem>>, %arg5: memref<1x1xf32, #tpu.memory_space<vmem>>, %arg6: memref<8192xf32, #tpu.memory_space<vmem>>) attributes {dimension_semantics = [#tpu.dimension_semantics<arbitrary>], iteration_bounds = array<i64: 123>, scalar_prefetch = 0 : i64, scratch_operands = 0 : i64, tpu.core_type = #tpu.core_type<tc>, window_params = [{transform_indices = @transform_0, window_bounds = array<i64: 64, 8192>}, {pipeline_mode = #tpu.pipeline_mode<synchronous>, transform_indices = @transform_1, window_bounds = array<i64: 64, 32>}, {pipeline_mode = #tpu.pipeline_mode<synchronous>, transform_indices = @transform_2, window_bounds = array<i64: 32, 1>}, {pipeline_mode = #tpu.pipeline_mode<synchronous>, transform_indices = @transform_3, window_bounds = array<i64: 32, 1>}, {pipeline_mode = #tpu.pipeline_mode<synchronous>, transform_indices = @transform_4, window_bounds = array<i64: 1, 1>}, {transform_indices = @transform_5, window_bounds = array<i64: 8192>}]} {
    %get3A = arith.constant 0 : index
    %get3A_0 = arith.constant 0 : index
    %get3A_1 = vector.load %arg1[%get3A, %get3A_0] : memref<64x8192xf32, #tpu.memory_space<vmem>>, vector<64x8192xf32>
    %convert_element_type3A = arith.truncf %get3A_1 : vector<64x8192xf32> to vector<64x8192xbf16>
    %get3A_2 = arith.constant 0 : index
    %get3A_3 = arith.constant 0 : index
    %get3A_4 = vector.load %arg2[%get3A_2, %get3A_3] : memref<64x32xf32, #tpu.memory_space<vmem>>, vector<64x32xf32>
    %convert_element_type3A_5 = arith.truncf %get3A_4 : vector<64x32xf32> to vector<64x32xbf16>
    %dot_general3A = arith.constant dense<0.000000e+00> : vector<32x8192xf32>
    %dot_general3A_6 = tpu.matmul %convert_element_type3A_5, %convert_element_type3A, %dot_general3A {dimension_numbers = #tpu.dot_dimension_numbers<[0], [0], [1], [1], [0, 1, 1, 1], [], []>, transpose_lhs_hint = false} : vector<64x32xbf16>, vector<64x8192xbf16>, vector<32x8192xf32> -> vector<32x8192xf32>
    %get3A_7 = arith.constant 0 : index
    %get3A_8 = arith.constant 0 : index
    %get3A_9 = vector.load %arg3[%get3A_7, %get3A_8] : memref<32x1xf32, #tpu.memory_space<vmem>>, vector<32x1xf32>
    %add3A = vector.broadcast %get3A_9 : vector<32x1xf32> to vector<32x8192xf32>
    %add3A_10 = arith.addf %dot_general3A_6, %add3A : vector<32x8192xf32>
    %max3A = arith.constant 0.000000e+00 : f32
    %max3A_11 = vector.broadcast %max3A : f32 to vector<32x8192xf32>
    %max3A_12 = arith.maximumf %add3A_10, %max3A_11 : vector<32x8192xf32>
    %convert_element_type3A_13 = arith.truncf %max3A_12 : vector<32x8192xf32> to vector<32x8192xbf16>
    %get3A_14 = arith.constant 0 : index
    %get3A_15 = arith.constant 0 : index
    %get3A_16 = vector.load %arg4[%get3A_14, %get3A_15] : memref<32x1xf32, #tpu.memory_space<vmem>>, vector<32x1xf32>
    %convert_element_type3A_17 = arith.truncf %get3A_16 : vector<32x1xf32> to vector<32x1xbf16>
    %dot_general3A_18 = arith.constant dense<0.000000e+00> : vector<1x8192xf32>
    %dot_general3A_19 = tpu.matmul %convert_element_type3A_17, %convert_element_type3A_13, %dot_general3A_18 {dimension_numbers = #tpu.dot_dimension_numbers<[0], [0], [1], [1], [0, 1, 1, 1], [], []>, transpose_lhs_hint = false} : vector<32x1xbf16>, vector<32x8192xbf16>, vector<1x8192xf32> -> vector<1x8192xf32>
    %get3A_20 = arith.constant 0 : index
    %get3A_21 = arith.constant 0 : index
    %get3A_22 = vector.load %arg5[%get3A_20, %get3A_21] : memref<1x1xf32, #tpu.memory_space<vmem>>, vector<1x1xf32>
    %add3A_23 = vector.broadcast %get3A_22 : vector<1x1xf32> to vector<1x8192xf32>
    %add3A_24 = arith.addf %dot_general3A_19, %add3A_23 : vector<1x8192xf32>
    %logistic3A = arith.negf %add3A_24 : vector<1x8192xf32>
    %logistic3A_25 = math.exp %logistic3A : vector<1x8192xf32>
    %logistic3A_26 = arith.constant 1.000000e+00 : f32
    %logistic3A_27 = vector.broadcast %logistic3A_26 : f32 to vector<1x8192xf32>
    %logistic3A_28 = arith.addf %logistic3A_27, %logistic3A_25 : vector<1x8192xf32>
    %logistic3A_29 = arith.divf %logistic3A_27, %logistic3A_28 : vector<1x8192xf32>
    %squeeze3A = vector.shape_cast %logistic3A_29 : vector<1x8192xf32> to vector<8192xf32>
    %swap3A = arith.constant 0 : index
    %swap3A_30 = vector.load %arg6[%swap3A] : memref<8192xf32, #tpu.memory_space<vmem>>, vector<8192xf32>
    tpu.vector_store %arg6[%swap3A], %squeeze3A {strides = array<i32>} : memref<8192xf32, #tpu.memory_space<vmem>>, vector<8192xf32>,
    return
  }
  func.func @transform_0(%arg0: i32) -> (i32, i32) {
    %c0_i32 = arith.constant 0 : i32
    %c0_i32_0 = arith.constant 0 : i32
    return %c0_i32, %arg0 : i32, i32
  }
  func.func @transform_1(%arg0: i32) -> (i32, i32) {
    %c0_i32 = arith.constant 0 : i32
    %c0_i32_0 = arith.constant 0 : i32
    %c0_i32_1 = arith.constant 0 : i32
    return %c0_i32, %c0_i32_0 : i32, i32
  }
  func.func @transform_2(%arg0: i32) -> (i32, i32) {
    %c0_i32 = arith.constant 0 : i32
    %c0_i32_0 = arith.constant 0 : i32
    %c0_i32_1 = arith.constant 0 : i32
    return %c0_i32, %c0_i32_0 : i32, i32
  }
  func.func @transform_3(%arg0: i32) -> (i32, i32) {
    %c0_i32 = arith.constant 0 : i32
    %c0_i32_0 = arith.constant 0 : i32
    %c0_i32_1 = arith.constant 0 : i32
    return %c0_i32, %c0_i32_0 : i32, i32
  }
  func.func @transform_4(%arg0: i32) -> (i32, i32) {
    %c0_i32 = arith.constant 0 : i32
    %c0_i32_0 = arith.constant 0 : i32
    %c0_i32_1 = arith.constant 0 : i32
    return %c0_i32, %c0_i32_0 : i32, i32
  }
  func.func @transform_5(%arg0: i32) -> i32 {
    %c0_i32 = arith.constant 0 : i32
    return %arg0 : i32
  }
}

</mosaic_0001>

<sc_bundles>
// kernel: kernel.4.cloned.1.call-start
scs
__scs_entry_jumppad:
0x0: {  	(pc) =	sbr.rel $0x88, $3  }
0x1: {  	(tag) =	ssettag $0x0;
	lr =	simm.s32 $0x1  }
0x2: {  	[smem:$0x3F9B] =	sst lr;
	_ =	strace $0xD0000000  }
0x3: {  	_ = 	snop  }
0x4: {  	_ = 	snop  }
0x5: {  	_ = 	snop  }
0x6: {  	_ = 	snop  }
0x7: {  	_ = 	snop  }
__scs_overlays_trampoline_lowered:
0x8: {  	[smem:$0x3FAA] =	sst s0  }
0x9: {  	[smem:$0x3FAB] =	sst s1  }
0xa: {  	[smem:$0x3FAC] =	sst s2  }
0xb: {  	[smem:$0x3FAD] =	sst s3  }
0xc: {  	[smem:$0x3FAE] =	sst s4  }
0xd: {  	[smem:$0x3FAF] =	sst s5  }
0xe: {  	[smem:$0x3FB0] =	sst s6  }
0xf: {  	[smem:$0x3FB1] =	sst s7  }
0x10: {  	[smem:$0x3FB2] =	sst s8  }
0x11: {  	[smem:$0x3FB3] =	sst s9;
	s0 =	simm.s32 @!p0 $0x0  }
0x12: {  	s1 =	sld [smem:$0x3F99];
	s0 =	simm.s32 @p0 $0x1  }
0x13: {  	[smem:$0x3FB4] =	sst s0;
	s0 =	simm.s32 @!p1 $0x0  }
0x14: {  	s2 =	sld [smem:$0x3F98];
	s0 =	simm.s32 @p1 $0x1  }
0x15: {  	[smem:$0x3FB5] =	sst s0;
	s0 =	simm.s32 @!p2 $0x0  }
0x16: {  	s3 =	sld [smem:$0x3FDB];
	s0 =	simm.s32 @p2 $0x1  }
0x17: {  	s4 =	simm.s32 $0x1BF5;
	[smem:$0x3FB7] =	sst s0  }
0x18: {  	s0 =	sld [smem:$0x3F9A];
	_ =	swait.ge [sflag:s4], $0x0  }
0x19: {  	s7 =	sld [smem:$0x3F9B]  }
0x1a: {  	s8 =	sadd.s32 $0xFFFFE003, lr  }
0x1b: {  	s9 =	sadd.s32 $0xFFFFFEF7, lr;
	s5 =	simm.s32 $0xFFFFFFFF;
	p2 =	slt.u32 s8, $0xFFFFF086  }
0x1c: {  	p1 =	slt.u32 s9, $0xF7A;
	s5 =	simm.s32 @!p2 $0x0  }
0x1d: {  	s5 =	simm.s32 @p1 $0x1;
	p0 =	seq.s32 s7, s2  }
0x1e: {  	s7 =	smul.u32 @!p0 $0xF7A, s2;
	p2 =	seq.s32 @!p0 s5, $0x0  }
0x1f: {  	s9 =	smul.u32 $0xF7A, s1;
	s8 =	simm.s32 @!p0 $0x1BF5;
	p2 =	por !p2, p0  }
0x20: {  	[sflag:s8] =	ssyncset.s32 @!p0 $0xFFFFF086;
	s6 =	sadd.s32 @!p0 s3, s7;
	s7 =	simm.s32 @!p0 $0x108  }
0x21: {  	s3 =	sadd.s32 s3, s9;
	s6 =	sadd.s32 @!p0 $0x88, s6;
	s7 =	simm.s32 @p2 $0x1082  }
0x22: {  	[simem:s7], [sflag:s8] =	dma.local @!p0 [hbm:s6], $0xF7A  }
0x23: {  	s9 =	sor.u32 $0xD0000000, s2;
	s6 =	simm.s32 $0x108;
	_ =	swait.ge @!p0 [sflag:s8], $0x0  }
0x24: {  	s3 =	sadd.s32 $0x88, s3;
	s6 =	simm.s32 @!p1 $0x1082;
	[sflag:s4] =	ssyncset.s32 $0xFFFFF086  }
0x25: {  	[simem:s6], [sflag:s4] =	dma.local [hbm:s3], $0xF7A  }
0x26: {  	[smem:$0x3F9B] =	sst s1;
	(tag) =	ssettag s2;
	_ =	strace s9  }
0x27: {  	s1 =	sld [smem:$0x3FAB]  }
0x28: {  	s2 =	sld [smem:$0x3FAC]  }
0x29: {  	s4 =	sld [smem:$0x3FAE]  }
0x2a: {  	p0 =	seq.s32 s5, $0x0;
	s5 =	sld [smem:$0x3FAF]  }
0x2b: {  	s6 =	sld [smem:$0x3FB0]  }
0x2c: {  	s7 =	sld [smem:$0x3FB1]  }
0x2d: {  	s3 =	simm.s32 $0x108;
	s8 =	sld [smem:$0x3FB2]  }
0x2e: {  	s3 =	simm.s32 @!p0 $0x1082;
	s9 =	sld [smem:$0x3FB3]  }
0x2f: {  	lr =	sadd.s32 s0, s3;
	s0 =	sld [smem:$0x3FAA]  }
0x30: {  	s3 =	sld [smem:$0x3FAD]  }
0x31: {  	[smem:$0x3FB6] =	sst s10  }
0x32: {  	s10 =	sld [smem:$0x3FB4];
	_ =	sdelay $0x3  }
0x33: {  	p0 =	seq.s32 s10, $0x1;
	s10 =	sld [smem:$0x3FB6];
	_ =	sdelay $0x3  }
0x34: {  	[smem:$0x3FB6] =	sst s10  }
0x35: {  	s10 =	sld [smem:$0x3FB5];
	_ =	sdelay $0x3  }
0x36: {  	p1 =	seq.s32 s10, $0x1;
	s10 =	sld [smem:$0x3FB6];
	_ =	sdelay $0x3  }
0x37: {  	[smem:$0x3FB6] =	sst s10  }
0x38: {  	s10 =	sld [smem:$0x3FB7]  }
0x39: {  	_ = 	snop;
	(pc) =	sbr.ind lr, $3  }
0x3a: {  	_ = 	snop  }
0x3b: {  	_ = 	snop  }
0x3c: {  	p2 =	seq.s32 s10, $0x1;
	s10 =	sld [smem:$0x3FB6]  }
0x3d: {  	_ =	shalt  }
0x3e: {  	_ =	shalt  }
0x3f: {  	_ =	shalt  }
0x40: {  	_ =	shalt  }
0x41: {  	_ =	shalt  }
0x42: {  	_ =	shalt  }
0x43: {  	_ =	shalt  }
0x44: {  	_ =	shalt  }
0x45: {  	_ =	shalt  }
0x46: {  	_ =	shalt  }
0x47: {  	_ =	shalt  }
0x48: {  	_ =	shalt  }
0x49: {  	_ =	shalt  }
0x4a: {  	_ =	shalt  }
0x4b: {  	_ =	shalt  }
0x4c: {  	_ =	shalt  }
0x4d: {  	_ =	shalt  }
0x4e: {  	_ =	shalt  }
0x4f: {  	_ =	shalt  }
0x50: {  	_ =	shalt  }
0x51: {  	_ =	shalt  }
0x52: {  	_ =	shalt  }
0x53: {  	_ =	shalt  }
0x54: {  	_ =	shalt  }
0x55: {  	_ =	shalt  }
0x56: {  	_ =	shalt  }
0x57: {  	_ =	shalt  }
0x58: {  	_ =	shalt  }
0x59: {  	_ =	shalt  }
0x5a: {  	_ =	shalt  }
0x5b: {  	_ =	shalt  }
0x5c: {  	_ =	shalt  }
0x5d: {  	_ =	shalt  }
0x5e: {  	_ =	shalt  }
0x5f: {  	_ =	shalt  }
0x60: {  	_ =	shalt  }
0x61: {  	_ =	shalt  }
0x62: {  	_ =	shalt  }
0x63: {  	_ =	shalt  }
0x64: {  	_ =	shalt  }
0x65: {  	_ =	shalt  }
0x66: {  	_ =	shalt  }
0x67: {  	_ =	shalt  }
0x68: {  	_ =	shalt  }
0x69: {  	_ =	shalt  }
0x6a: {  	_ =	shalt  }
0x6b: {  	_ =	shalt  }
0x6c: {  	_ =	shalt  }
0x6d: {  	_ =	shalt  }
0x6e: {  	_ =	shalt  }
0x6f: {  	_ =	shalt  }
0x70: {  	_ =	shalt  }
0x71: {  	_ =	shalt  }
0x72: {  	_ =	shalt  }
0x73: {  	_ =	shalt  }
0x74: {  	_ =	shalt  }
0x75: {  	_ =	shalt  }
0x76: {  	_ =	shalt  }
0x77: {  	_ =	shalt  }
0x78: {  	_ =	shalt  }
0x79: {  	_ =	shalt  }
0x7a: {  	_ =	shalt  }
0x7b: {  	_ =	shalt  }
0x7c: {  	_ =	shalt  }
0x7d: {  	_ =	shalt  }
0x7e: {  	_ =	shalt  }
0x7f: {  	_ =	shalt  }
0x80: {  	_ =	shalt  }
0x81: {  	_ =	shalt  }
0x82: {  	_ =	shalt  }
0x83: {  	_ =	shalt  }
0x84: {  	_ =	shalt  }
0x85: {  	_ =	shalt  }
0x86: {  	_ =	shalt  }
0x87: {  	_ =	shalt  }
.Lfunc_end0:
.L_simem_size_0:
called_computation_lowered:
.L_overlay_start_0:
0x88: {  	s2 =	sld [smem:$0x3FD9]  }
0x89: {  	s3 =	sld [smem:$0x3FFE];
	_ =	sdelay $0x1  }
0x8a: {  	s1 =	srdreg.scid  }
0x8b: {  	s0 =	sand.u32 $0x1, s1  }
0x8c: {  	s17 =	sshll.u32 s0, $0xA;
	s2 =	sadd.s32 s3, s2  }
0x8d: {  	s2 =	sadd.s32 s2, s17  }
0x8e: {  	[smem:$0x3FC2] =	sst s2  }
0x8f: {  	_ = 	snop  }
0x90: {  	s2 =	sld [smem:$0x3FD0];
	(tm) =	ssettm $0x1  }
0x91: {  	s18 =	sld [smem:$0x3FFB];
	_ =	sdelay $0x3  }
0x92: {  	_ =	strace s18  }
0x93: {  	s3 =	sld [smem:$0x3FFC];
	_ =	sdelay $0x3  }
0x94: {  	_ =	strace s3  }
0x95: {  	s3 =	sld [smem:$0x3FFD];
	_ =	sdelay $0x3  }
0x96: {  	_ =	strace s3  }
0x97: {  	_ =	strace $0x8FFFFFFF  }
0x98: {  	s19 =	sld [smem:$0x3FDB];
	_ =	sdelay $0x1  }
0x99: {  	s4 =	simm.s32 $_scs_section_size  }
0x9a: {  	s5 =	simm.s32 $_size__tile_overlayer_lowered;
	s6 =	simm.s32 $_tile_overlayer_lowered  }
0x9b: {  	s22 =	simm.s32 $0x1BFF;
	s21 =	sshll.u32 s6, $0x1;
	s3 =	sadd.s32 s4, s19  }
0x9c: {  	s7 =	simm.s32 $0x0;
	s20 =	sshll.u32 s5, $0x1;
	s5 =	sadd.s32 s21, s3  }
0x9d: {  	[timem:s7], [sflag:s22] =	dma.local [hbm:s5], s20  }
0x9e: {  	_ =	swait.ge [sflag:s22], s20  }
0x9f: {  	s4 =	ssub.s32 $0x0, s20;
	[sflag:s22] =	ssyncset.done $0x0  }
0xa0: {  	[sflag:s22] =	ssyncadd.s32 s4;
	_ =	sdelay $0x1  }
0xa1: {  	s23 =	simm.s32 $0x1B8B  }
0xa2: {  	_ =	swait.ge [sflag:s23], $0x1  }
0xa3: {  	[sflag:s23] =	ssyncset.done $0x0  }
0xa4: {  	s25 =	simm.s32 $0x1B8E;
	s24 =	sld [smem:$0x3FFE];
	[sflag:s23] =	ssyncadd.s32 $0xFFFFFFFF  }
0xa5: {  	s26 =	simm.s32 $execute0_lowered;
	[smem:$0x3FD2] =	sst s25  }
0xa6: {  	s5 =	sshll.u32 s26, $0x1;
	_ =	strace $0x80000046;
	[dreg:$0x1] =	wrdreg $0xFFFFFFFF  }
0xa7: {  	s28 =	simm.s32 $_size_execute0_lowered;
	s3 =	sadd.s32 s3, s5;
	[dreg:$0x0] =	wrdreg $0x0  }
0xa8: {  	s5 =	sshll.u32 s28, $0x1;
	[dreg:$0x2] =	wrdreg s3  }
0xa9: {  	[dreg:$0x3] =	wrdreg s5  }
0xaa: {  	[dreg:$0x4] =	wrdreg $0xC0  }
0xab: {  	_ =	task [dreg:s7], $0x5FFFF  }
0xac: {  	[dreg:$0x1] =	wrdreg $0xFFFFFFFF  }
0xad: {  	[dreg:$0x0] =	wrdreg $0x60  }
0xae: {  	[dreg:$0x2] =	wrdreg s24  }
0xaf: {  	[dreg:$0x3] =	wrdreg s2  }
0xb0: {  	[dreg:$0x4] =	wrdreg $0x9  }
0xb1: {  	_ =	task.clear_ibuf [dreg:s7], $0x5FFFF;
	_ =	strace $0x90000046  }
0xb2: {  	s29 =	simm.s32 $0x9;
	_ =	strace $0x80000048  }
0xb3: {  	_ =	swait.ge [sflag:s29], $0x1  }
0xb4: {  	[sflag:s29] =	ssyncadd.s32 $0xFFFFFFFF  }
0xb5: {  	_ =	strace $0x90000048  }
0xb6: {  	_ =	sfence  }
0xb7: {  	s30 =	sld [smem:$0x0];
	_ =	sdelay $0x2  }
0xb8: {  	s31 =	sshll.u32 s1, $0xD;
	s1 =	sshrl.u32 s1, $0x2  }
0xb9: {  	s3 =	sand.u32 $0x4000, s31;
	s1 =	sadd.s32 s1, s30  }
0xba: {  	s0 =	sor.u32 s3, s0;
	s1 =	sshll.u32 s1, $0x11  }
0xbb: {  	s0 =	sor.u32 s1, s0  }
0xbc: {  	s0 =	sadd.s32 $0x8F2B, s0  }
0xbd: {  	[sflag:s0] =	ssyncadd.remote.s32 $0x1  }
0xbe: {  	_ =	sfence.sel $0xFFFF  }
0xbf: {  	[dreg:$0x0] =	wrdreg $0xFFFFFFFF;
	(pc) =	sbr.abs _section_cstart, $3  }
0xc0: {  	[dreg:$0x1] =	wrdreg $0xFFFFFFFF  }
0xc1: {  	_ =	task.clear_ibuf [dreg:s7], $0x2FFFF;
	_ =	strace $0x9FFFFFFF  }
0xc2: {  	(tm) =	ssettm $0x7FFFFFFF  }
0xc3: {  	_ =	shalt  }
tec
execute0_lowered:
.L_overlay_start_1:
0x0: {  	(tag) =	ssettag $0x1  }
0x1: {  	s1 =	srdreg.scid;
	s0 =	stileid.u32  }
0x2: {  	s8 =	rddreg [dreg:$0x0];
	s6 =	sand.u32 $0x1, s1;
	s30 =	sshll.u32 s0, $0x1  }
0x3: {  	s3 =	rddreg [dreg:$0x1];
	s2 =	simm.s32 $0x0;
	s4 =	sor.u32 s6, s30  }
0x4: {  	[smem:$0x7FF] =	sst s2;
	s9 =	smul.u32 $0x680, s4  }
0x5: {  	s7 =	simm.s32 $0x1;
	s1 =	rddreg [dreg:$0x2];
	_ =	strace $0x80000047  }
0x6: {  	s10 =	ssub.s32 $0x2, s6;
	s4 =	sadd.s32 s3, s9;
	s3 =	simm.s32 $0x2  }
0x7: {  	[tilespmem:s2], [sflag:$0x2] =	stream.linear.gather [hbm4b:s4+s2], $0x3400, $0x38;
	[tilespmem:$0x6800] =	vst v63  }
0x8: {  	s5 =	sadd.s32 $0x600, s8;
	s11 =	sshrl.u32 s10, $0x1;
	_ =	swait.ge [sflag:s3], $0x3400  }
0x9: {  	s6 =	simm.s32 $0x3400;
	s31 =	ssub.s32 s10, s11;
	[sflag:s3] =	ssyncset.done $0x0  }
0xa: {  	s8 =	sadd.s32 s9, s8;
	s9 =	smax.u32 s31, $0x1;
	[sflag:s3] =	ssyncadd.s32 $0xFFFFCC00  }
0xb: {  	[tilespmem:s6], [sflag:$0x1] =	stream.indirect.gather [hbm4b:s5+s6], $0x1, s2, s6, $0xb8;
	[tilespmem:$0x6800] =	vst v63  }
0xc: {  	p0 =	sne.s32 s9, $0x1;
	_ =	swait.ge [sflag:s7], $0x3400  }
.Ltmp0:
0xd: {  	[sflag:s7] =	ssyncset.done $0x0;
	(pc) =	sbr.rel @!p0 .LBB2_2-.Ltmp0, $4  }
0xe: {  	s8 =	sadd.s32 $0x1F000, s8;
	[sflag:s7] =	ssyncadd.s32 $0xFFFFCC00  }
0xf: {  	[hbm4b:s8+s2] =	stream.linear.scatter [tilespmem:s6], [sflag:$0x2], $0x3400, $0x38;
	[tilespmem:$0x6800] =	vst v63  }
0x10: {  	_ =	swait.ge [sflag:s3], $0x3400  }
0x11: {  	s9 =	sadd.s32 $0xFFFFFFFF, s9;
	[sflag:s3] =	ssyncset.done $0x0  }
.LBB2_1:
0x12: {  	p0 =	sne.s32 s9, $0x1;
	s9 =	sadd.s32 $0xFFFFFFFF, s9;
	[sflag:s3] =	ssyncadd.s32 $0xFFFFCC00  }
0x13: {  	[tilespmem:s2], [sflag:$0x2] =	stream.linear.gather [hbm4b:s4+s2], $0x3400, $0x38;
	[tilespmem:$0x6800] =	vst v63  }
0x14: {  	_ =	swait.ge [sflag:s3], $0x3400  }
0x15: {  	[sflag:s3] =	ssyncset.done $0x0  }
0x16: {  	[sflag:s3] =	ssyncadd.s32 $0xFFFFCC00  }
0x17: {  	[tilespmem:s6], [sflag:$0x1] =	stream.indirect.gather [hbm4b:s5+s6], $0x1, s2, s6, $0xb8;
	[tilespmem:$0x6800] =	vst v63  }
0x18: {  	_ =	swait.ge [sflag:s7], $0x3400  }
.Ltmp1:
0x19: {  	[sflag:s7] =	ssyncset.done $0x0;
	(pc) =	sbr.rel @p0 .LBB2_1-.Ltmp1, $4  }
0x1a: {  	[sflag:s7] =	ssyncadd.s32 $0xFFFFCC00  }
0x1b: {  	[hbm4b:s8+s2] =	stream.linear.scatter [tilespmem:s6], [sflag:$0x2], $0x3400, $0x38;
	[tilespmem:$0x6800] =	vst v63  }
0x1c: {  	_ =	swait.ge [sflag:s3], $0x3400  }
0x1d: {  	[sflag:s3] =	ssyncset.done $0x0  }
.LBB2_2:
0x1e: {  	[sflag:s3] =	ssyncadd.s32 $0xFFFFCC00  }
0x1f: {  	_ =	sfence.sel $0x180000  }
0x20: {  	[bflag:$0x0] =	sbarrier.arrive $0xFFFF  }
0x21: {  	p0 =	sne.s32 s0, $0x0;
	_ =	strace $0x90000047  }
0x22: {  	s0 =	sadd.s32 @!p0 $0x100000, s1;
	[bflag:$0x2] =	sbarrier.arrive $0xFFFF  }
0x23: {  	[sflag:s0] =	ssyncadd.tile.s32 @!p0 $0x1;
	_ =	shalt  }
.Lfunc_end2:
_tile_overlayer_lowered:
.L_overlay_start_2:
0x24: {  	(tag) =	ssettag $0x2  }
0x25: {  	s0 =	rddreg [dreg:$0x0];
	s2 =	stileid.u32  }
0x26: {  	s1 =	rddreg [dreg:$0x1];
	p0 =	sne.s32 s2, $0x0  }
0x27: {  	s3 =	rddreg [dreg:$0x2];
	[bflag:$0x3] =	sbarrier.arrive $0xFFFF;
	s2 =	simm.s32 @!p0 $0x1C02  }
0x28: {  	[timem:s3], [sflag:s2] =	dma.local @!p0 [hbm:s0], s1  }
0x29: {  	s0 =	simm.s32 @!p0 $0x2  }
0x2a: {  	_ =	swait.ge @!p0 [sflag:s0], s1  }
0x2b: {  	s1 =	ssub.s32 @!p0 $0x0, s1;
	[sflag:s0] =	ssyncset.done @!p0 $0x0  }
0x2c: {  	[sflag:s0] =	ssyncadd.s32 @!p0 s1  }
0x2d: {  	[bflag:$0x3] =	sbarrier.arrive $0xFFFF  }
0x2e: {  	_ =	shalt  }

</sc_bundles>
